<compile_context>
chip_gen: v7x
topology: tpu7x:2x2x1
jax: 0.10.2.dev20260603
libtpu: 0.0.44.dev20260713+nightly
codegen_flags: <defaults>
</compile_context>

<pallas_src>
import functools

import numpy as np
import jax
import jax.numpy as jnp
from jax import lax
from jax.experimental import pallas as pl
from jax.experimental.pallas import tpu as pltpu
from jax.experimental.pallas import tpu_sc as plsc

_K = 16
_L = 16


def _mm_norm(t):
    mn = jnp.min(t, axis=-1, keepdims=True)
    mx = jnp.max(t, axis=-1, keepdims=True)
    return (t - mn) / (mx - mn + 1)


def _l2_norm(t):
    n = jnp.sqrt(jnp.sum(t * t, axis=2, keepdims=True))
    return t / jnp.maximum(n, 1e-12)


def _topk_of_adjacency(x, loc, td, wq, wk, wv, Wq, Wk, Wv, Wc, W):
    B, N, T = x.shape
    n_head, emb = 8, 32
    xn = jnp.abs(jnp.fft.rfft(x, axis=-1, norm='ortho'))
    xn = _l2_norm(_mm_norm(xn))
    locn = _l2_norm(_mm_norm(loc))
    tdn = _l2_norm(_mm_norm(td))
    td_loc = jnp.concatenate([tdn, locn], axis=-1)
    q = td_loc @ wq
    k = xn @ wk
    v = xn @ wv
    q2 = (q @ Wq).reshape(B, N, n_head, emb).transpose(2, 0, 1, 3).reshape(n_head * B, N, emb)
    k2 = (k @ Wk).reshape(B, N, n_head, emb).transpose(2, 0, 1, 3).reshape(n_head * B, N, emb)
    v2 = (v @ Wv).reshape(B, N, n_head, emb).transpose(2, 0, 1, 3).reshape(n_head * B, N, emb)
    u = jnp.einsum('bnd,bmd->bnm', q2, k2) / np.power(emb, 0.5)
    attn = jax.nn.softmax(u, axis=2)
    out = jnp.einsum('bnm,bmd->bnd', attn, v2)
    out = out.reshape(n_head, B, N, emb).transpose(1, 2, 0, 3).reshape(B, N, n_head * emb)
    out = out @ Wc
    h = jnp.maximum(out, 0.0)
    mu = jnp.mean(h, axis=-1, keepdims=True)
    var = jnp.var(h, axis=-1, keepdims=True)
    loc_emb = (h - mu) / jnp.sqrt(var + 1e-8)
    adj = jnp.einsum('bnd,bmd,d->bnm', loc_emb, loc_emb, W[:, 0])
    adj = jnp.maximum(adj, 0.0)
    vals, idx = jax.lax.top_k(adj, _K)
    b_idx = jnp.arange(B)[:, None, None]
    n_idx = jnp.arange(N)[None, :, None]
    zr = jnp.zeros_like(adj).at[b_idx, n_idx, idx].set(vals)
    return vals, idx, zr


def _renorm_body(vals_hbm, idx_hbm, zr_hbm, z_hbm, vbuf, ibuf, zbuf):
    cid = lax.axis_index("c")
    sid = lax.axis_index("s")
    wid = sid * 2 + cid
    rows, n = zbuf.shape
    nchunks = n // _L
    per_batch = vals_hbm.shape[1] // rows
    b = wid // per_batch
    n0 = (wid % per_batch) * rows
    pltpu.sync_copy(vals_hbm.at[b, pl.ds(n0, rows)], vbuf)
    pltpu.sync_copy(idx_hbm.at[b, pl.ds(n0, rows)], ibuf)

    zero = jnp.zeros((_L,), jnp.float32)

    def zrow(i, carry):
        def zchunk(ci, c2):
            zbuf[i, pl.ds(ci * _L, _L)] = zero
            return c2
        lax.fori_loop(0, nchunks, zchunk, 0)
        return carry

    lax.fori_loop(0, rows, zrow, 0)

    def row_body(r, carry):
        v = vbuf[r, pl.ds(0, _K)]
        ix = ibuf[r, pl.ds(0, _K)]
        total = jnp.sum(v)
        scale = (jnp.ones((_L,), jnp.float32)
                 / jnp.broadcast_to(total + 1e-05, (_L,)))
        rvec = jnp.broadcast_to(r, (_K,))
        plsc.store_scatter(zbuf, [rvec, ix], v * scale)
        return carry

    lax.fori_loop(0, rows, row_body, 0)
    pltpu.sync_copy(zbuf, z_hbm.at[b, pl.ds(n0, rows)])


_NCORES = 2
_NSUBCORES = 16


def _apply_renorm(vals3, idx3, zr):
    nb, nn, n = zr.shape
    nwork = _NCORES * _NSUBCORES
    rows = (nb * nn) // nwork
    mesh = plsc.VectorSubcoreMesh(core_axis_name="c", subcore_axis_name="s",
                                  num_cores=_NCORES, num_subcores=_NSUBCORES)
    fn = functools.partial(
        pl.kernel,
        out_type=jax.ShapeDtypeStruct((nb, nn, n), jnp.float32),
        mesh=mesh,
        scratch_types=[
            pltpu.VMEM((rows, _K), jnp.float32),
            pltpu.VMEM((rows, _K), jnp.int32),
            pltpu.VMEM((rows, n), jnp.float32),
        ],
        compiler_params=pltpu.CompilerParams(needs_layout_passes=False),
    )(_renorm_body)
    return fn(vals3, idx3, zr)


def kernel(x, grid1, loc, td, unknown, wq, wk, wv, Wq, Wk, Wv, Wc, W):
    B, N, T = x.shape
    vals, idx, zr = _topk_of_adjacency(x, loc, td, wq, wk, wv, Wq, Wk, Wv, Wc, W)
    return _apply_renorm(vals, idx, zr)

# --- scband reference (transcript-rebuilt; emitter-appended) ---
"""Pipeline reference for scband-meta-graph2-31044023616141 (READ-ONLY COPY).

The authoritative reference and input builder live on the scoring server;
editing this copy changes nothing except your own understanding.
"""

import jax, jax.numpy as jnp
import numpy as np


def _min_max(t):
    mn = jnp.min(t, axis=-1, keepdims=True)
    mx = jnp.max(t, axis=-1, keepdims=True)
    return (t - mn) / (mx - mn + 1)


def _l2norm(t):
    n = jnp.sqrt(jnp.sum(t * t, axis=2, keepdims=True))
    return t / jnp.maximum(n, 1e-12)


def setup_inputs(seed: int = 0):
    key = jax.random.key(seed)
    ks = [jax.random.fold_in(key, i) for i in range(16)]
    B, N, T = 4, 512, 2048
    hidden, emb, n_head, t_n = 64, 32, 8, 2
    d_x = T // 2 + 1
    d_y = 12 * hidden + emb * t_n
    inp = {}
    inp['x'] = jax.random.normal(ks[0], (B, N, T), dtype=jnp.float32)
    inp['grid1'] = jnp.zeros((1,), dtype=jnp.float32)
    inp['loc'] = jax.random.normal(ks[1], (B, N, 12 * hidden), dtype=jnp.float32)
    inp['td'] = jax.random.normal(ks[2], (B, N, emb * t_n), dtype=jnp.float32)
    inp['unknown'] = jnp.zeros((1,), dtype=jnp.float32)
    inp['wq'] = jax.random.normal(ks[3], (d_y, emb), dtype=jnp.float32) * 0.05
    inp['wk'] = jax.random.normal(ks[4], (d_x, emb), dtype=jnp.float32) * 0.05
    inp['wv'] = jax.random.normal(ks[5], (d_x, emb), dtype=jnp.float32) * 0.05
    inp['Wq'] = jax.random.normal(ks[6], (emb, n_head * emb), dtype=jnp.float32) * 0.1
    inp['Wk'] = jax.random.normal(ks[7], (emb, n_head * emb), dtype=jnp.float32) * 0.1
    inp['Wv'] = jax.random.normal(ks[8], (emb, n_head * emb), dtype=jnp.float32) * 0.1
    inp['Wc'] = jax.random.normal(ks[9], (n_head * emb, hidden), dtype=jnp.float32) * 0.1
    inp['W'] = jax.random.normal(ks[10], (hidden, 1), dtype=jnp.float32) * 0.1
    return inp


def reference(x, grid1, loc, td, unknown, wq, wk, wv, Wq, Wk, Wv, Wc, W):
    B, N, T = x.shape
    n_head, emb, K = 8, 32, 16
    # fft feature path
    xn = jnp.abs(jnp.fft.rfft(x, axis=-1, norm='ortho'))
    xn = _l2norm(_min_max(xn))
    locn = _l2norm(_min_max(loc))
    tdn = _l2norm(_min_max(td))
    td_loc = jnp.concatenate([tdn, locn], axis=-1)
    # SelfAttention projections (dropout is identity in eval)
    q = td_loc @ wq
    k = xn @ wk
    v = xn @ wv
    # MultiHeadAttention2 (Linear no bias, weights stored as [in, out])
    q2 = (q @ Wq).reshape(B, N, n_head, emb).transpose(2, 0, 1, 3).reshape(n_head * B, N, emb)
    k2 = (k @ Wk).reshape(B, N, n_head, emb).transpose(2, 0, 1, 3).reshape(n_head * B, N, emb)
    v2 = (v @ Wv).reshape(B, N, n_head, emb).transpose(2, 0, 1, 3).reshape(n_head * B, N, emb)
    u = jnp.einsum('bnd,bmd->bnm', q2, k2) / np.power(emb, 0.5)
    attn = jax.nn.softmax(u, axis=2)
    out = jnp.einsum('bnm,bmd->bnd', attn, v2)
    out = out.reshape(n_head, B, N, emb).transpose(1, 2, 0, 3).reshape(B, N, n_head * emb)
    out = out @ Wc
    # relu -> LayerNorm (no affine, eps=1e-8)
    h = jnp.maximum(out, 0.0)
    mu = jnp.mean(h, axis=-1, keepdims=True)
    var = jnp.var(h, axis=-1, keepdims=True)
    loc_emb = (h - mu) / jnp.sqrt(var + 1e-8)
    # adjacency: (loc_l * loc_r) @ W, squeezed -> [B, N, N]
    adj = jnp.einsum('bnd,bmd,d->bnm', loc_emb, loc_emb, W[:, 0])
    adj = jnp.maximum(adj, 0.0)
    # graphmasekd: top-k mask along dim=2, renormalize rows
    vals, idx = jax.lax.top_k(adj, K)
    b_idx = jnp.arange(B)[:, None, None]
    n_idx = jnp.arange(N)[None, :, None]
    z = jnp.zeros_like(adj).at[b_idx, n_idx, idx].set(vals)
    z = z / (jnp.sum(z, axis=-1, keepdims=True) + 1e-05)
    return z

if __name__ == "__main__":
    import jax
    _d = setup_inputs()
    print(jax.jit(kernel)(*tuple(_d.values())))

</pallas_src>

<mosaic_0001>
#map = affine_map<(d0, d1) -> (0, 0, 0)>
module attributes {stable_mosaic.version = 14 : i64} {
  func.func @_renorm_body(%arg0: i32, %arg1: i32, %arg2: memref<4x512x16xf32, #tpu.memory_space<hbm>>, %arg3: memref<4x512x16xi32, #tpu.memory_space<hbm>>, %arg4: memref<4x512x512xf32, #tpu.memory_space<hbm>>, %arg5: memref<4x512x512xf32, #tpu.memory_space<hbm>>, %arg6: memref<64x16xf32, #tpu.memory_space<vmem>>, %arg7: memref<64x16xi32, #tpu.memory_space<vmem>>, %arg8: memref<64x512xf32, #tpu.memory_space<vmem>>) attributes {dimension_semantics = [#tpu.dimension_semantics<core_parallel>, #tpu.dimension_semantics<subcore_parallel>], iteration_bounds = array<i64: 2, 16>, scalar_prefetch = 0 : i64, scratch_operands = 3 : i64, tpu.core_type = #tpu.core_type<sc_vector_subcore>, window_params = [{transform_indices = #map}, {transform_indices = #map}, {transform_indices = #map}, {transform_indices = #map}]} {
    %mul3A = arith.constant 2 : i32
    %mul3A_0 = arith.muli %arg1, %mul3A : i32
    %add3A = arith.addi %mul3A_0, %arg0 : i32
    %jit3A = arith.constant 8 : i32
    %div3A = arith.divsi %add3A, %jit3A : i32
    %sign3A = arith.constant 0 : i32
    %sign3A_1 = arith.cmpi sgt, %add3A, %sign3A : i32
    %sign3A_2 = arith.extui %sign3A_1 : i1 to i32
    %sign3A_3 = arith.constant 0 : i32
    %sign3A_4 = arith.cmpi slt, %add3A, %sign3A_3 : i32
    %sign3A_5 = arith.extui %sign3A_4 : i1 to i32
    %sign3A_6 = arith.subi %sign3A_2, %sign3A_5 : i32
    %sign3A_7 = arith.constant 0 : i32
    %sign3A_8 = arith.cmpi sgt, %jit3A, %sign3A_7 : i32
    %sign3A_9 = arith.extui %sign3A_8 : i1 to i32
    %sign3A_10 = arith.constant 0 : i32
    %sign3A_11 = arith.cmpi slt, %jit3A, %sign3A_10 : i32
    %sign3A_12 = arith.extui %sign3A_11 : i1 to i32
    %sign3A_13 = arith.subi %sign3A_9, %sign3A_12 : i32
    %ne3A = arith.cmpi ne, %sign3A_6, %sign3A_13 : i32
    %rem3A = arith.remsi %add3A, %jit3A : i32
    %ne3A_14 = arith.constant 0 : i32
    %ne3A_15 = arith.cmpi ne, %rem3A, %ne3A_14 : i32
    %and3A = arith.andi %ne3A, %ne3A_15 : i1
    %sub3A = arith.constant 1 : i32
    %sub3A_16 = arith.subi %div3A, %sub3A : i32
    %select_n3A = arith.select %and3A, %sub3A_16, %div3A : i32
    %jit3A_17 = arith.constant 8 : i32
    %eq3A = arith.constant 0 : i32
    %eq3A_18 = arith.cmpi eq, %jit3A_17, %eq3A : i32
    %jit3A_19 = arith.constant 1 : i32
    %select_n3A_20 = arith.select %eq3A_18, %jit3A_19, %jit3A_17 : i32
    %rem3A_21 = arith.remsi %add3A, %select_n3A_20 : i32
    %ne3A_22 = arith.constant 0 : i32
    %ne3A_23 = arith.cmpi ne, %rem3A_21, %ne3A_22 : i32
    %lt3A = arith.constant 0 : i32
    %lt3A_24 = arith.cmpi slt, %rem3A_21, %lt3A : i32
    %lt3A_25 = arith.constant 0 : i32
    %lt3A_26 = arith.cmpi slt, %select_n3A_20, %lt3A_25 : i32
    %ne3A_27 = arith.xori %lt3A_24, %lt3A_26 : i1
    %and3A_28 = arith.andi %ne3A_27, %ne3A_23 : i1
    %add3A_29 = arith.addi %rem3A_21, %select_n3A_20 : i32
    %select_n3A_30 = arith.select %and3A_28, %add3A_29, %rem3A_21 : i32
    %mul3A_31 = arith.constant 64 : i32
    %mul3A_32 = arith.muli %select_n3A_30, %mul3A_31 : i32
    "tpu.region"() ({
      %run_scoped3A = tpu.sem_alloc : memref<!tpu.dma_semaphore, #tpu.memory_space<semaphore_mem>>
      %dma_start3A = arith.constant 0 : i32
      %dma_start3A_45 = tpu.memref_slice %arg2[%select_n3A, %mul3A_32, %dma_start3A] : memref<4x512x16xf32, #tpu.memory_space<hbm>> -> memref<1x64x16xf32, #tpu.memory_space<hbm>>
      %dma_start3A_46 = tpu.memref_squeeze %dma_start3A_45 : memref<1x64x16xf32, #tpu.memory_space<hbm>> -> memref<64x16xf32, #tpu.memory_space<hbm>>
      %dma_start3A_47 = arith.constant 0 : i32
      %dma_start3A_48 = tpu.memref_slice %arg2[%select_n3A, %mul3A_32, %dma_start3A_47] : memref<4x512x16xf32, #tpu.memory_space<hbm>> -> memref<1x64x16xf32, #tpu.memory_space<hbm>>
      %dma_start3A_49 = tpu.memref_squeeze %dma_start3A_48 : memref<1x64x16xf32, #tpu.memory_space<hbm>> -> memref<64x16xf32, #tpu.memory_space<hbm>>
      tpu.enqueue_dma source(%dma_start3A_49 : memref<64x16xf32, #tpu.memory_space<hbm>>) target(%arg6 : memref<64x16xf32, #tpu.memory_space<vmem>>) target_semaphore(%run_scoped3A : memref<!tpu.dma_semaphore, #tpu.memory_space<semaphore_mem>>)
      %dma_wait3A = arith.constant 0 : i32
      %dma_wait3A_50 = tpu.memref_slice %arg2[%select_n3A, %mul3A_32, %dma_wait3A] : memref<4x512x16xf32, #tpu.memory_space<hbm>> -> memref<1x64x16xf32, #tpu.memory_space<hbm>>
      %dma_wait3A_51 = tpu.memref_squeeze %dma_wait3A_50 : memref<1x64x16xf32, #tpu.memory_space<hbm>> -> memref<64x16xf32, #tpu.memory_space<hbm>>
      %dma_wait3A_52 = arith.constant 0 : i32
      %dma_wait3A_53 = tpu.memref_slice %arg2[%select_n3A, %mul3A_32, %dma_wait3A_52] : memref<4x512x16xf32, #tpu.memory_space<hbm>> -> memref<1x64x16xf32, #tpu.memory_space<hbm>>
      %dma_wait3A_54 = tpu.memref_squeeze %dma_wait3A_53 : memref<1x64x16xf32, #tpu.memory_space<hbm>> -> memref<64x16xf32, #tpu.memory_space<hbm>>
      tpu.wait_dma2 semaphore(%run_scoped3A : memref<!tpu.dma_semaphore, #tpu.memory_space<semaphore_mem>>) src(%dma_wait3A_54 : memref<64x16xf32, #tpu.memory_space<hbm>>) dst(%arg6 : memref<64x16xf32, #tpu.memory_space<vmem>>)
      tpu.yield
    }) : () -> ()
    "tpu.region"() ({
      %run_scoped3A = tpu.sem_alloc : memref<!tpu.dma_semaphore, #tpu.memory_space<semaphore_mem>>
      %dma_start3A = arith.constant 0 : i32
      %dma_start3A_45 = tpu.memref_slice %arg3[%select_n3A, %mul3A_32, %dma_start3A] : memref<4x512x16xi32, #tpu.memory_space<hbm>> -> memref<1x64x16xi32, #tpu.memory_space<hbm>>
      %dma_start3A_46 = tpu.memref_squeeze %dma_start3A_45 : memref<1x64x16xi32, #tpu.memory_space<hbm>> -> memref<64x16xi32, #tpu.memory_space<hbm>>
      %dma_start3A_47 = arith.constant 0 : i32
      %dma_start3A_48 = tpu.memref_slice %arg3[%select_n3A, %mul3A_32, %dma_start3A_47] : memref<4x512x16xi32, #tpu.memory_space<hbm>> -> memref<1x64x16xi32, #tpu.memory_space<hbm>>
      %dma_start3A_49 = tpu.memref_squeeze %dma_start3A_48 : memref<1x64x16xi32, #tpu.memory_space<hbm>> -> memref<64x16xi32, #tpu.memory_space<hbm>>
      tpu.enqueue_dma source(%dma_start3A_49 : memref<64x16xi32, #tpu.memory_space<hbm>>) target(%arg7 : memref<64x16xi32, #tpu.memory_space<vmem>>) target_semaphore(%run_scoped3A : memref<!tpu.dma_semaphore, #tpu.memory_space<semaphore_mem>>)
      %dma_wait3A = arith.constant 0 : i32
      %dma_wait3A_50 = tpu.memref_slice %arg3[%select_n3A, %mul3A_32, %dma_wait3A] : memref<4x512x16xi32, #tpu.memory_space<hbm>> -> memref<1x64x16xi32, #tpu.memory_space<hbm>>
      %dma_wait3A_51 = tpu.memref_squeeze %dma_wait3A_50 : memref<1x64x16xi32, #tpu.memory_space<hbm>> -> memref<64x16xi32, #tpu.memory_space<hbm>>
      %dma_wait3A_52 = arith.constant 0 : i32
      %dma_wait3A_53 = tpu.memref_slice %arg3[%select_n3A, %mul3A_32, %dma_wait3A_52] : memref<4x512x16xi32, #tpu.memory_space<hbm>> -> memref<1x64x16xi32, #tpu.memory_space<hbm>>
      %dma_wait3A_54 = tpu.memref_squeeze %dma_wait3A_53 : memref<1x64x16xi32, #tpu.memory_space<hbm>> -> memref<64x16xi32, #tpu.memory_space<hbm>>
      tpu.wait_dma2 semaphore(%run_scoped3A : memref<!tpu.dma_semaphore, #tpu.memory_space<semaphore_mem>>) src(%dma_wait3A_54 : memref<64x16xi32, #tpu.memory_space<hbm>>) dst(%arg7 : memref<64x16xi32, #tpu.memory_space<vmem>>)
      tpu.yield
    }) : () -> ()
    %broadcast_in_dim3A = arith.constant 0.000000e+00 : f32
    %broadcast_in_dim3A_33 = vector.broadcast %broadcast_in_dim3A : f32 to vector<16xf32>
    %scan3A = arith.constant 0 : i32
    %scan3A_34 = arith.constant 0 : i32
    %scan3A_35 = arith.constant 64 : i32
    %scan3A_36 = arith.addi %scan3A_34, %scan3A_35 : i32
    %scan3A_37 = arith.constant 1 : i32
    scf.for %scan3A_45 = %scan3A_34 to %scan3A_36 step %scan3A_37  : i32 {
      %scan3A_46 = arith.constant 0 : i32
      %scan3A_47 = arith.constant 0 : i32
      %scan3A_48 = arith.constant 32 : i32
      %scan3A_49 = arith.addi %scan3A_47, %scan3A_48 : i32
      %scan3A_50 = arith.constant 1 : i32
      scf.for %scan3A_52 = %scan3A_47 to %scan3A_49 step %scan3A_50  : i32 {
        %mul3A_53 = arith.constant 16 : i32
        %mul3A_54 = arith.muli %scan3A_52, %mul3A_53 : i32
        %swap3A = arith.index_cast %scan3A_45 : i32 to index
        %swap3A_55 = arith.index_cast %mul3A_54 : i32 to index
        %swap3A_56 = tpu.vector_load %arg8[%swap3A, %swap3A_55] {strides = array<i32>} : memref<64x512xf32, #tpu.memory_space<vmem>>, vector<16xf32>,
        tpu.vector_store %arg8[%swap3A, %swap3A_55], %broadcast_in_dim3A_33 {strides = array<i32>} : memref<64x512xf32, #tpu.memory_space<vmem>>, vector<16xf32>,
      }
      %scan3A_51 = arith.constant 32 : i32
    }
    %scan3A_38 = arith.constant 64 : i32
    %scan3A_39 = arith.constant 0 : i32
    %scan3A_40 = arith.constant 0 : i32
    %scan3A_41 = arith.constant 64 : i32
    %scan3A_42 = arith.addi %scan3A_40, %scan3A_41 : i32
    %scan3A_43 = arith.constant 1 : i32
    scf.for %scan3A_45 = %scan3A_40 to %scan3A_42 step %scan3A_43  : i32 {
      %get3A = arith.index_cast %scan3A_45 : i32 to index
      %get3A_46 = arith.constant 0 : index
      %get3A_47 = tpu.vector_load %arg6[%get3A, %get3A_46] {strides = array<i32>} : memref<64x16xf32, #tpu.memory_space<vmem>>, vector<16xf32>,
      %get3A_48 = arith.index_cast %scan3A_45 : i32 to index
      %get3A_49 = arith.constant 0 : index
      %get3A_50 = tpu.vector_load %arg7[%get3A_48, %get3A_49] {strides = array<i32>} : memref<64x16xi32, #tpu.memory_space<vmem>>, vector<16xi32>,
      %reduce_sum3A = arith.constant true
      %reduce_sum3A_51 = vector.broadcast %reduce_sum3A : i1 to vector<16xi1>
      %reduce_sum3A_52 = tpu.scan <sum>, %get3A_47 masked %reduce_sum3A_51 : vector<16xf32>, vector<16xi1> -> vector<16xf32>
      %reduce_sum3A_53 = vector.extract %reduce_sum3A_52[15] : f32 from vector<16xf32>
      %broadcast_in_dim3A_54 = arith.constant 1.000000e+00 : f32
      %broadcast_in_dim3A_55 = vector.broadcast %broadcast_in_dim3A_54 : f32 to vector<16xf32>
      %add3A_56 = arith.constant 9.99999974E-6 : f32
      %add3A_57 = arith.addf %reduce_sum3A_53, %add3A_56 : f32
      %broadcast_in_dim3A_58 = vector.broadcast %add3A_57 : f32 to vector<16xf32>
      %div3A_59 = arith.divf %broadcast_in_dim3A_55, %broadcast_in_dim3A_58 : vector<16xf32>
      %broadcast_in_dim3A_60 = vector.broadcast %scan3A_45 : i32 to vector<16xi32>
      %mul3A_61 = arith.mulf %get3A_47, %div3A_59 : vector<16xf32>
      tpu.vector_store_idx %arg8[%broadcast_in_dim3A_60, %get3A_50], %mul3A_61 : memref<64x512xf32, #tpu.memory_space<vmem>>[vector<16xi32>, vector<16xi32>], vector<16xf32>,
    }
    %scan3A_44 = arith.constant 64 : i32
    "tpu.region"() ({
      %run_scoped3A = tpu.sem_alloc : memref<!tpu.dma_semaphore, #tpu.memory_space<semaphore_mem>>
      %dma_start3A = arith.constant 0 : i32
      %dma_start3A_45 = tpu.memref_slice %arg5[%select_n3A, %mul3A_32, %dma_start3A] : memref<4x512x512xf32, #tpu.memory_space<hbm>> -> memref<1x64x512xf32, #tpu.memory_space<hbm>>
      %dma_start3A_46 = tpu.memref_squeeze %dma_start3A_45 : memref<1x64x512xf32, #tpu.memory_space<hbm>> -> memref<64x512xf32, #tpu.memory_space<hbm>>
      %dma_start3A_47 = arith.constant 0 : i32
      %dma_start3A_48 = tpu.memref_slice %arg5[%select_n3A, %mul3A_32, %dma_start3A_47] : memref<4x512x512xf32, #tpu.memory_space<hbm>> -> memref<1x64x512xf32, #tpu.memory_space<hbm>>
      %dma_start3A_49 = tpu.memref_squeeze %dma_start3A_48 : memref<1x64x512xf32, #tpu.memory_space<hbm>> -> memref<64x512xf32, #tpu.memory_space<hbm>>
      tpu.enqueue_dma source(%arg8 : memref<64x512xf32, #tpu.memory_space<vmem>>) target(%dma_start3A_49 : memref<64x512xf32, #tpu.memory_space<hbm>>) target_semaphore(%run_scoped3A : memref<!tpu.dma_semaphore, #tpu.memory_space<semaphore_mem>>)
      %dma_wait3A = arith.constant 0 : i32
      %dma_wait3A_50 = tpu.memref_slice %arg5[%select_n3A, %mul3A_32, %dma_wait3A] : memref<4x512x512xf32, #tpu.memory_space<hbm>> -> memref<1x64x512xf32, #tpu.memory_space<hbm>>
      %dma_wait3A_51 = tpu.memref_squeeze %dma_wait3A_50 : memref<1x64x512xf32, #tpu.memory_space<hbm>> -> memref<64x512xf32, #tpu.memory_space<hbm>>
      %dma_wait3A_52 = arith.constant 0 : i32
      %dma_wait3A_53 = tpu.memref_slice %arg5[%select_n3A, %mul3A_32, %dma_wait3A_52] : memref<4x512x512xf32, #tpu.memory_space<hbm>> -> memref<1x64x512xf32, #tpu.memory_space<hbm>>
      %dma_wait3A_54 = tpu.memref_squeeze %dma_wait3A_53 : memref<1x64x512xf32, #tpu.memory_space<hbm>> -> memref<64x512xf32, #tpu.memory_space<hbm>>
      tpu.wait_dma2 semaphore(%run_scoped3A : memref<!tpu.dma_semaphore, #tpu.memory_space<semaphore_mem>>) src(%arg8 : memref<64x512xf32, #tpu.memory_space<vmem>>) dst(%dma_wait3A_54 : memref<64x512xf32, #tpu.memory_space<hbm>>)
      tpu.yield
    }) : () -> ()
    return
  }
}

module {
  func.func @main(%arg0: i32, %arg1: i32, %arg2: i32, %arg3: memref<1x512x512xf32, #tpu.memory_space<vmem>>, %arg4: memref<1x512x32xf32, #tpu.memory_space<vmem>>, %arg5: memref<1x512x32xf32, #tpu.memory_space<vmem>>, %arg6: memref<1x512x1xf32, #tpu.memory_space<vmem>>, %arg7: memref<1x512x1xf32, #tpu.memory_space<vmem>>) attributes {dimension_semantics = [#tpu.dimension_semantics<parallel>, #tpu.dimension_semantics<parallel>, #tpu.dimension_semantics<arbitrary>], iteration_bounds = array<i64: 32, 1, 1>, scratch_operands = 2 : i64, window_params = [{transform_indices = @qk_fn, window_bounds = array<i64: 1, 512, 512>}, {transform_indices = @v_fn, window_bounds = array<i64: 1, 512, 32>}, {transform_indices = @oi_fn, window_bounds = array<i64: 1, 512, 32>}]} {
    %c0 = arith.constant 0 : index
    %c0_i32 = arith.constant 0 : i32
    %0 = arith.cmpi eq, %c0_i32, %arg2 : i32
    scf.if %0 {
      %cst_3 = arith.constant dense<0.000000e+00> : vector<1x512x32xf32>
      vector.store %cst_3, %arg5[%c0, %c0, %c0] : memref<1x512x32xf32, #tpu.memory_space<vmem>>, vector<1x512x32xf32>
      %cst_4 = arith.constant dense<0xFF800000> : vector<1x512x1xf32>
      vector.store %cst_4, %arg6[%c0, %c0, %c0] : memref<1x512x1xf32, #tpu.memory_space<vmem>>, vector<1x512x1xf32>
      %cst_5 = arith.constant dense<0.000000e+00> : vector<1x512x1xf32>
      vector.store %cst_5, %arg7[%c0, %c0, %c0] : memref<1x512x1xf32, #tpu.memory_space<vmem>>, vector<1x512x1xf32>
    }
    %1 = vector.load %arg3[%c0, %c0, %c0] : memref<1x512x512xf32, #tpu.memory_space<vmem>>, vector<1x512x512xf32>
    %cst = arith.constant dense<0xFF800000> : vector<1x512xf32>
    %2 = vector.multi_reduction <maximumf>, %1, %cst [2] : vector<1x512x512xf32> to vector<1x512xf32>
    %3 = vector.shape_cast %2 : vector<1x512xf32> to vector<1x512x1xf32>
    %4 = vector.load %arg6[%c0, %c0, %c0] : memref<1x512x1xf32, #tpu.memory_space<vmem>>, vector<1x512x1xf32>
    %5 = arith.maximumf %4, %3 : vector<1x512x1xf32>
    %cst_0 = arith.constant dense<0.000000e+00> : vector<1x512x1xf32>
    %6 = arith.cmpf oeq, %4, %5 : vector<1x512x1xf32>
    %7 = arith.subf %4, %5 : vector<1x512x1xf32>
    %8 = arith.select %6, %cst_0, %7 : vector<1x512x1xi1>, vector<1x512x1xf32>
    %9 = vector.broadcast %5 : vector<1x512x1xf32> to vector<1x512x512xf32>
    %10 = arith.subf %1, %9 : vector<1x512x512xf32>
    %11 = math.exp %10 : vector<1x512x512xf32>
    %cst_1 = arith.constant dense<0.000000e+00> : vector<1x512xf32>
    %12 = vector.multi_reduction <add>, %11, %cst_1 [2] : vector<1x512x512xf32> to vector<1x512xf32>
    %13 = vector.shape_cast %12 : vector<1x512xf32> to vector<1x512x1xf32>
    %14 = vector.load %arg7[%c0, %c0, %c0] : memref<1x512x1xf32, #tpu.memory_space<vmem>>, vector<1x512x1xf32>
    %15 = math.exp %8 : vector<1x512x1xf32>
    %16 = arith.mulf %15, %14 : vector<1x512x1xf32>
    %17 = arith.addf %16, %13 : vector<1x512x1xf32>
    %18 = vector.load %arg5[%c0, %c0, %c0] : memref<1x512x32xf32, #tpu.memory_space<vmem>>, vector<1x512x32xf32>
    %19 = math.exp %8 : vector<1x512x1xf32>
    %20 = arith.mulf %19, %14 : vector<1x512x1xf32>
    %21 = vector.broadcast %20 : vector<1x512x1xf32> to vector<1x512x32xf32>
    %22 = arith.mulf %21, %18 : vector<1x512x32xf32>
    %23 = vector.load %arg4[%c0, %c0, %c0] : memref<1x512x32xf32, #tpu.memory_space<vmem>>, vector<1x512x32xf32>
    %24 = vector.shape_cast %23 : vector<1x512x32xf32> to vector<512x32xf32>
    %25 = vector.shape_cast %11 : vector<1x512x512xf32> to vector<512x512xf32>
    %26 = vector.shape_cast %22 : vector<1x512x32xf32> to vector<512x32xf32>
    %27 = tpu.matmul %25, %24, %26 {dimension_numbers = #tpu.dot_dimension_numbers<[1], [0], [0], [1], [0, 0, 1, 1], [], []>, precision = #tpu.contract_precision<bf16>, transpose_lhs_hint = false} : vector<512x512xf32>, vector<512x32xf32>, vector<512x32xf32> -> vector<512x32xf32>
    %28 = vector.shape_cast %27 : vector<512x32xf32> to vector<1x512x32xf32>
    %cst_2 = arith.constant dense<1.000000e+00> : vector<1x512x1xf32>
    %29 = arith.divf %cst_2, %17 : vector<1x512x1xf32>
    %30 = vector.broadcast %29 : vector<1x512x1xf32> to vector<1x512x32xf32>
    %31 = arith.mulf %28, %30 : vector<1x512x32xf32>
    %32 = vector.shape_cast %31 : vector<1x512x32xf32> to vector<1x512x32xf32>
    vector.store %32, %arg5[%c0, %c0, %c0] : memref<1x512x32xf32, #tpu.memory_space<vmem>>, vector<1x512x32xf32>
    vector.store %5, %arg6[%c0, %c0, %c0] : memref<1x512x1xf32, #tpu.memory_space<vmem>>, vector<1x512x1xf32>
    vector.store %17, %arg7[%c0, %c0, %c0] : memref<1x512x1xf32, #tpu.memory_space<vmem>>, vector<1x512x1xf32>
    return
  }
  func.func @qk_fn(%arg0: i32, %arg1: i32, %arg2: i32) -> (i32, i32, i32) {
    return %arg0, %arg1, %arg2 : i32, i32, i32
  }
  func.func @v_fn(%arg0: i32, %arg1: i32, %arg2: i32) -> (i32, i32, i32) {
    %c0_i32 = arith.constant 0 : i32
    return %arg0, %arg2, %c0_i32 : i32, i32, i32
  }
  func.func @oi_fn(%arg0: i32, %arg1: i32, %arg2: i32) -> (i32, i32, i32) {
    %c0_i32 = arith.constant 0 : i32
    return %arg0, %arg1, %c0_i32 : i32, i32, i32
  }
}

</mosaic_0001>

<sc_bundles>
// kernel: kernel.3.cloned.1.call-start
scs
__scs_entry_jumppad:
0x0: {  	(pc) =	sbr.rel $0x88, $3  }
0x1: {  	(tag) =	ssettag $0x0;
	lr =	simm.s32 $0x1  }
0x2: {  	[smem:$0x3F96] =	sst lr;
	_ =	strace $0xD0000000  }
0x3: {  	_ = 	snop  }
0x4: {  	_ = 	snop  }
0x5: {  	_ = 	snop  }
0x6: {  	_ = 	snop  }
0x7: {  	_ = 	snop  }
__scs_overlays_trampoline_lowered:
0x8: {  	[smem:$0x3FA5] =	sst s0  }
0x9: {  	[smem:$0x3FA6] =	sst s1  }
0xa: {  	[smem:$0x3FA7] =	sst s2  }
0xb: {  	[smem:$0x3FA8] =	sst s3  }
0xc: {  	[smem:$0x3FA9] =	sst s4  }
0xd: {  	[smem:$0x3FAA] =	sst s5  }
0xe: {  	[smem:$0x3FAB] =	sst s6  }
0xf: {  	[smem:$0x3FAC] =	sst s7  }
0x10: {  	[smem:$0x3FAD] =	sst s8  }
0x11: {  	[smem:$0x3FAE] =	sst s9;
	s0 =	simm.s32 @!p0 $0x0  }
0x12: {  	s1 =	sld [smem:$0x3F94];
	s0 =	simm.s32 @p0 $0x1  }
0x13: {  	[smem:$0x3FAF] =	sst s0;
	s0 =	simm.s32 @!p1 $0x0  }
0x14: {  	s2 =	sld [smem:$0x3F93];
	s0 =	simm.s32 @p1 $0x1  }
0x15: {  	[smem:$0x3FB0] =	sst s0;
	s0 =	simm.s32 @!p2 $0x0  }
0x16: {  	s3 =	sld [smem:$0x3FDB];
	s0 =	simm.s32 @p2 $0x1  }
0x17: {  	s4 =	simm.s32 $0x1BF5;
	[smem:$0x3FB2] =	sst s0  }
0x18: {  	s0 =	sld [smem:$0x3F95];
	_ =	swait.ge [sflag:s4], $0x0  }
0x19: {  	s7 =	sld [smem:$0x3F96]  }
0x1a: {  	s8 =	sadd.s32 $0xFFFFE003, lr  }
0x1b: {  	s9 =	sadd.s32 $0xFFFFFEF7, lr;
	s5 =	simm.s32 $0xFFFFFFFF;
	p2 =	slt.u32 s8, $0xFFFFF086  }
0x1c: {  	p1 =	slt.u32 s9, $0xF7A;
	s5 =	simm.s32 @!p2 $0x0  }
0x1d: {  	s5 =	simm.s32 @p1 $0x1;
	p0 =	seq.s32 s7, s2  }
0x1e: {  	s7 =	smul.u32 @!p0 $0xF7A, s2;
	p2 =	seq.s32 @!p0 s5, $0x0  }
0x1f: {  	s9 =	smul.u32 $0xF7A, s1;
	s8 =	simm.s32 @!p0 $0x1BF5;
	p2 =	por !p2, p0  }
0x20: {  	[sflag:s8] =	ssyncset.s32 @!p0 $0xFFFFF086;
	s6 =	sadd.s32 @!p0 s3, s7;
	s7 =	simm.s32 @!p0 $0x108  }
0x21: {  	s3 =	sadd.s32 s3, s9;
	s6 =	sadd.s32 @!p0 $0x88, s6;
	s7 =	simm.s32 @p2 $0x1082  }
0x22: {  	[simem:s7], [sflag:s8] =	dma.local @!p0 [hbm:s6], $0xF7A  }
0x23: {  	s9 =	sor.u32 $0xD0000000, s2;
	s6 =	simm.s32 $0x108;
	_ =	swait.ge @!p0 [sflag:s8], $0x0  }
0x24: {  	s3 =	sadd.s32 $0x88, s3;
	s6 =	simm.s32 @!p1 $0x1082;
	[sflag:s4] =	ssyncset.s32 $0xFFFFF086  }
0x25: {  	[simem:s6], [sflag:s4] =	dma.local [hbm:s3], $0xF7A  }
0x26: {  	[smem:$0x3F96] =	sst s1;
	(tag) =	ssettag s2;
	_ =	strace s9  }
0x27: {  	s1 =	sld [smem:$0x3FA6]  }
0x28: {  	s2 =	sld [smem:$0x3FA7]  }
0x29: {  	s4 =	sld [smem:$0x3FA9]  }
0x2a: {  	p0 =	seq.s32 s5, $0x0;
	s5 =	sld [smem:$0x3FAA]  }
0x2b: {  	s6 =	sld [smem:$0x3FAB]  }
0x2c: {  	s7 =	sld [smem:$0x3FAC]  }
0x2d: {  	s3 =	simm.s32 $0x108;
	s8 =	sld [smem:$0x3FAD]  }
0x2e: {  	s3 =	simm.s32 @!p0 $0x1082;
	s9 =	sld [smem:$0x3FAE]  }
0x2f: {  	lr =	sadd.s32 s0, s3;
	s0 =	sld [smem:$0x3FA5]  }
0x30: {  	s3 =	sld [smem:$0x3FA8]  }
0x31: {  	[smem:$0x3FB1] =	sst s10  }
0x32: {  	s10 =	sld [smem:$0x3FAF];
	_ =	sdelay $0x3  }
0x33: {  	p0 =	seq.s32 s10, $0x1;
	s10 =	sld [smem:$0x3FB1];
	_ =	sdelay $0x3  }
0x34: {  	[smem:$0x3FB1] =	sst s10  }
0x35: {  	s10 =	sld [smem:$0x3FB0];
	_ =	sdelay $0x3  }
0x36: {  	p1 =	seq.s32 s10, $0x1;
	s10 =	sld [smem:$0x3FB1];
	_ =	sdelay $0x3  }
0x37: {  	[smem:$0x3FB1] =	sst s10  }
0x38: {  	s10 =	sld [smem:$0x3FB2]  }
0x39: {  	_ = 	snop;
	(pc) =	sbr.ind lr, $3  }
0x3a: {  	_ = 	snop  }
0x3b: {  	_ = 	snop  }
0x3c: {  	p2 =	seq.s32 s10, $0x1;
	s10 =	sld [smem:$0x3FB1]  }
0x3d: {  	_ =	shalt  }
0x3e: {  	_ =	shalt  }
0x3f: {  	_ =	shalt  }
0x40: {  	_ =	shalt  }
0x41: {  	_ =	shalt  }
0x42: {  	_ =	shalt  }
0x43: {  	_ =	shalt  }
0x44: {  	_ =	shalt  }
0x45: {  	_ =	shalt  }
0x46: {  	_ =	shalt  }
0x47: {  	_ =	shalt  }
0x48: {  	_ =	shalt  }
0x49: {  	_ =	shalt  }
0x4a: {  	_ =	shalt  }
0x4b: {  	_ =	shalt  }
0x4c: {  	_ =	shalt  }
0x4d: {  	_ =	shalt  }
0x4e: {  	_ =	shalt  }
0x4f: {  	_ =	shalt  }
0x50: {  	_ =	shalt  }
0x51: {  	_ =	shalt  }
0x52: {  	_ =	shalt  }
0x53: {  	_ =	shalt  }
0x54: {  	_ =	shalt  }
0x55: {  	_ =	shalt  }
0x56: {  	_ =	shalt  }
0x57: {  	_ =	shalt  }
0x58: {  	_ =	shalt  }
0x59: {  	_ =	shalt  }
0x5a: {  	_ =	shalt  }
0x5b: {  	_ =	shalt  }
0x5c: {  	_ =	shalt  }
0x5d: {  	_ =	shalt  }
0x5e: {  	_ =	shalt  }
0x5f: {  	_ =	shalt  }
0x60: {  	_ =	shalt  }
0x61: {  	_ =	shalt  }
0x62: {  	_ =	shalt  }
0x63: {  	_ =	shalt  }
0x64: {  	_ =	shalt  }
0x65: {  	_ =	shalt  }
0x66: {  	_ =	shalt  }
0x67: {  	_ =	shalt  }
0x68: {  	_ =	shalt  }
0x69: {  	_ =	shalt  }
0x6a: {  	_ =	shalt  }
0x6b: {  	_ =	shalt  }
0x6c: {  	_ =	shalt  }
0x6d: {  	_ =	shalt  }
0x6e: {  	_ =	shalt  }
0x6f: {  	_ =	shalt  }
0x70: {  	_ =	shalt  }
0x71: {  	_ =	shalt  }
0x72: {  	_ =	shalt  }
0x73: {  	_ =	shalt  }
0x74: {  	_ =	shalt  }
0x75: {  	_ =	shalt  }
0x76: {  	_ =	shalt  }
0x77: {  	_ =	shalt  }
0x78: {  	_ =	shalt  }
0x79: {  	_ =	shalt  }
0x7a: {  	_ =	shalt  }
0x7b: {  	_ =	shalt  }
0x7c: {  	_ =	shalt  }
0x7d: {  	_ =	shalt  }
0x7e: {  	_ =	shalt  }
0x7f: {  	_ =	shalt  }
0x80: {  	_ =	shalt  }
0x81: {  	_ =	shalt  }
0x82: {  	_ =	shalt  }
0x83: {  	_ =	shalt  }
0x84: {  	_ =	shalt  }
0x85: {  	_ =	shalt  }
0x86: {  	_ =	shalt  }
0x87: {  	_ =	shalt  }
.Lfunc_end0:
.L_simem_size_0:
called_computation_lowered:
.L_overlay_start_0:
0x88: {  	s2 =	sld [smem:$0x3FD9]  }
0x89: {  	s3 =	sld [smem:$0x3FFE];
	_ =	sdelay $0x1  }
0x8a: {  	s1 =	srdreg.scid  }
0x8b: {  	s0 =	sand.u32 $0x1, s1  }
0x8c: {  	s17 =	sshll.u32 s0, $0xA;
	s2 =	sadd.s32 s3, s2  }
0x8d: {  	s2 =	sadd.s32 s2, s17  }
0x8e: {  	[smem:$0x3FBD] =	sst s2  }
0x8f: {  	_ = 	snop  }
0x90: {  	s2 =	sld [smem:$0x3FD0];
	(tm) =	ssettm $0x1  }
0x91: {  	s18 =	sld [smem:$0x3FFB];
	_ =	sdelay $0x3  }
0x92: {  	_ =	strace s18  }
0x93: {  	s3 =	sld [smem:$0x3FFC];
	_ =	sdelay $0x3  }
0x94: {  	_ =	strace s3  }
0x95: {  	s3 =	sld [smem:$0x3FFD];
	_ =	sdelay $0x3  }
0x96: {  	_ =	strace s3  }
0x97: {  	_ =	strace $0x8FFFFFFF  }
0x98: {  	s19 =	sld [smem:$0x3FDB];
	_ =	sdelay $0x1  }
0x99: {  	s4 =	simm.s32 $_scs_section_size  }
0x9a: {  	s5 =	simm.s32 $_size__tile_overlayer_lowered;
	s6 =	simm.s32 $_tile_overlayer_lowered  }
0x9b: {  	s22 =	simm.s32 $0x1BFF;
	s21 =	sshll.u32 s6, $0x1;
	s3 =	sadd.s32 s4, s19  }
0x9c: {  	s7 =	simm.s32 $0x0;
	s20 =	sshll.u32 s5, $0x1;
	s5 =	sadd.s32 s21, s3  }
0x9d: {  	[timem:s7], [sflag:s22] =	dma.local [hbm:s5], s20  }
0x9e: {  	_ =	swait.ge [sflag:s22], s20  }
0x9f: {  	s4 =	ssub.s32 $0x0, s20;
	[sflag:s22] =	ssyncset.done $0x0  }
0xa0: {  	[sflag:s22] =	ssyncadd.s32 s4;
	_ =	sdelay $0x1  }
0xa1: {  	s23 =	simm.s32 $0x1B8B  }
0xa2: {  	_ =	swait.ge [sflag:s23], $0x1  }
0xa3: {  	[sflag:s23] =	ssyncset.done $0x0  }
0xa4: {  	s25 =	simm.s32 $0x1B8E;
	s24 =	sld [smem:$0x3FFE];
	[sflag:s23] =	ssyncadd.s32 $0xFFFFFFFF  }
0xa5: {  	s26 =	simm.s32 $execute0_lowered;
	[smem:$0x3FD2] =	sst s25  }
0xa6: {  	s5 =	sshll.u32 s26, $0x1;
	_ =	strace $0x80000046;
	[dreg:$0x1] =	wrdreg $0xFFFFFFFF  }
0xa7: {  	s28 =	simm.s32 $_size_execute0_lowered;
	s3 =	sadd.s32 s3, s5;
	[dreg:$0x0] =	wrdreg $0x0  }
0xa8: {  	s5 =	sshll.u32 s28, $0x1;
	[dreg:$0x2] =	wrdreg s3  }
0xa9: {  	[dreg:$0x3] =	wrdreg s5  }
0xaa: {  	[dreg:$0x4] =	wrdreg $0xC0  }
0xab: {  	_ =	task [dreg:s7], $0x5FFFF  }
0xac: {  	[dreg:$0x1] =	wrdreg $0xFFFFFFFF  }
0xad: {  	[dreg:$0x0] =	wrdreg $0x60  }
0xae: {  	[dreg:$0x2] =	wrdreg s24  }
0xaf: {  	[dreg:$0x3] =	wrdreg s2  }
0xb0: {  	[dreg:$0x4] =	wrdreg $0x9  }
0xb1: {  	_ =	task.clear_ibuf [dreg:s7], $0x5FFFF;
	_ =	strace $0x90000046  }
0xb2: {  	s29 =	simm.s32 $0x9;
	_ =	strace $0x80000048  }
0xb3: {  	_ =	swait.ge [sflag:s29], $0x1  }
0xb4: {  	[sflag:s29] =	ssyncadd.s32 $0xFFFFFFFF  }
0xb5: {  	_ =	strace $0x90000048  }
0xb6: {  	_ =	sfence  }
0xb7: {  	s30 =	sld [smem:$0x0];
	_ =	sdelay $0x2  }
0xb8: {  	s31 =	sshll.u32 s1, $0xD;
	s1 =	sshrl.u32 s1, $0x2  }
0xb9: {  	s3 =	sand.u32 $0x4000, s31;
	s1 =	sadd.s32 s1, s30  }
0xba: {  	s0 =	sor.u32 s3, s0;
	s1 =	sshll.u32 s1, $0x11  }
0xbb: {  	s0 =	sor.u32 s1, s0  }
0xbc: {  	s0 =	sadd.s32 $0x8F2B, s0  }
0xbd: {  	[sflag:s0] =	ssyncadd.remote.s32 $0x1  }
0xbe: {  	_ =	sfence.sel $0xFFFF  }
0xbf: {  	[dreg:$0x0] =	wrdreg $0xFFFFFFFF;
	(pc) =	sbr.abs _section_cstart, $3  }
0xc0: {  	[dreg:$0x1] =	wrdreg $0xFFFFFFFF  }
0xc1: {  	_ =	task.clear_ibuf [dreg:s7], $0x2FFFF;
	_ =	strace $0x9FFFFFFF  }
0xc2: {  	(tm) =	ssettm $0x7FFFFFFF  }
0xc3: {  	_ =	shalt  }
tec
execute0_lowered:
.L_overlay_start_1:
0x0: {  	(tag) =	ssettag $0x1  }
0x1: {  	s3 =	rddreg [dreg:$0x0]  }
0x2: {  	s5 =	rddreg [dreg:$0x1];
	s1 =	stileid.u32  }
0x3: {  	s0 =	rddreg [dreg:$0x2];
	s4 =	srdreg.scid;
	s2 =	simm.s32 $0x0  }
0x4: {  	s6 =	sshll.u32 s1, $0x1;
	s4 =	sand.u32 $0x1, s4;
	s7 =	sshrl.u32 s1, $0x2  }
0x5: {  	[smem:$0x7FF] =	sst s2;
	s6 =	sand.u32 $0x6, s6;
	s8 =	sshll.u32 s7, $0xD  }
0x6: {  	_ =	strace $0x80000047;
	s7 =	sshll.u32 s7, $0xF;
	s6 =	sor.u32 s4, s6  }
0x7: {  	s4 =	ssub.s32 $0x2, s4;
	s5 =	sadd.s32 s5, s7;
	s7 =	simm.s32 $0x1  }
0x8: {  	s9 =	sshll.u32 s6, $0xA;
	s10 =	sshrl.u32 s4, $0x1;
	s6 =	sshll.u32 s6, $0xC  }
0x9: {  	s8 =	sor.u32 s8, s9;
	s31 =	ssub.s32 s4, s10;
	s5 =	sadd.s32 s6, s5  }
0xa: {  	s9 =	simm.s32 $0x4000;
	s10 =	simm.s32 $0x0;
	s3 =	sadd.s32 s3, s8  }
0xb: {  	v0 =	vimm.f32 $0.0e+00;
	s6 =	smax.u32 s31, $0x1;
	s8 =	simm.s32 $0x2000;
	s4 =	sadd.s32 $0x8000, s3  }
.LBB2_1:
0xc: {  	[tilespmem:s2], [sflag:$0x1] =	stream.linear.gather [hbm4b:s4+s2], $0x2000, $0x38;
	[tilespmem:$0xC000] =	vst v63  }
0xd: {  	_ =	swait.ge [sflag:s7], $0x2000  }
0xe: {  	[sflag:s7] =	ssyncset.done $0x0  }
0xf: {  	[sflag:s7] =	ssyncadd.s32 $0xFFFFE000  }
0x10: {  	[tilespmem:s8], [sflag:$0x1] =	stream.linear.gather [hbm4b:s3+s2], $0x2000, $0x38;
	[tilespmem:$0xC000] =	vst v63  }
0x11: {  	_ =	swait.ge [sflag:s7], $0x2000  }
0x12: {  	[sflag:s7] =	ssyncset.done $0x0  }
0x13: {  	s11 =	simm.s32 $0x0;
	[sflag:s7] =	ssyncadd.s32 $0xFFFFE000  }
.LBB2_2:
0x14: {  	s12 =	sshll.u32 s11, $0x9;
	s13 =	sshll.u32 s11, $0x7  }
0x15: {  	s12 =	sand.u32 $0x7000, s12;
	s13 =	sand.u32 $0x380, s13  }
0x16: {  	s13 =	sor.u32 s13, s12;
	s12 =	simm.s32 $0x0  }
0x17: {  	s13 =	sadd.s32 $0x4000, s13;
	s14 =	sand.u32 $0xC00, s12  }
0x18: {  	s15 =	sand.u32 $0x70, s12;
	s16 =	sadd.s32 s14, s13  }
0x19: {  	s14 =	simm.s32 $0x10;
	s15 =	sadd.s32 s15, s16  }
.LBB2_3:
0x1a: {  	p0 =	sne.s32 s14, $0x1F0  }
0x1b: {  	[tilespmem:s15+$0x0] =	vst v0;
	s12 =	sadd.s32 $0x80, s12;
	s15 =	smov.u32 s14;
	s14 =	sadd.s32 $0x10, s14  }
.Ltmp0:
0x1c: {  	(pc) =	sbr.rel @p0 .LBB2_3-.Ltmp0, $4  }
0x1d: {  	_ = 	snop  }
0x1e: {  	s16 =	sand.u32 $0xC00, s12  }
0x1f: {  	s15 =	sand.u32 $0x70, s15;
	s16 =	sadd.s32 s16, s13  }
0x20: {  	s15 =	sadd.s32 s15, s16  }
0x21: {  	s11 =	sadd.s32 $0x1, s11  }
0x22: {  	p0 =	sne.s32 s11, $0x40  }
.Ltmp1:
0x23: {  	_ = 	snop;
	(pc) =	sbr.rel @p0 .LBB2_2-.Ltmp1, $2  }
0x24: {  	_ =	sdelay $0x2  }
0x25: {  	[tilespmem:s15+$0x0] =	vst v0  }
0x26: {  	s12 =	simm.s32 $0x0  }
0x27: {  	v1 =	vld [tilespmem:s12+$0x0];
	_ =	sdelay $0x4  }
0x28: {  	(xrf2) =	vadd.scan.msk.f32 $0xffff, v1;
	_ =	sdelay $0x9  }
0x29: {  	v2, _, _ =	vpop (xrf2)  }
0x2a: {  	(v2sf) =	vpush v2, $0xF;
	_ =	sdelay $0xe  }
0x2b: {  	s13 =	spop (v2sf)  }
0x2c: {  	s11 =	simm.s32 $0x2000;
	s13 =	sadd.f32 $9.999999740e-06, s13  }
0x2d: {  	v2 =	vld [tilespmem:s11+$0x0]  }
0x2e: {  	v3 =	vmov s13  }
0x2f: {  	(erf) = vrcp.f32 v3;
	_ =	sdelay $0x1  }
0x30: {  	v3 =	vmov s12  }
0x31: {  	v5 =	vshll.u32 v2, $0x3;
	v4 =	vshll.u32 v3, $0x9  }
0x32: {  	v5 =	vand.u32 $0xFFFFFC00, v5;
	v3 =	vshll.u32 v3, $0x7;
	v4 =	vand.u32 $0x7000, v4  }
0x33: {  	v3 =	vand.u32 $0x380, v3;
	v4 =	vadd.s32 v4, v5  }
0x34: {  	v2 =	vand.u32 $0x7F, v2;
	v3 =	vor.u32 v3, v4  }
0x35: {  	v2 =	vor.u32 v2, v3;
	_ =	sdelay $0x1  }
0x36: {  	v3 =	vpop (erf)  }
0x37: {  	v1 =	vmul.f32 v3, v1;
	_ =	sdelay $0x1  }
0x38: {  	s13 =	simm.s32 $0x80;
	[tilespmem:v2+s9+$0x0] =	vst.idx.msk $0xffff, v1  }
0x39: {  	s14 =	simm.s32 $0x2;
	s12 =	simm.s32 $0x1;
	v1 =	vld [tilespmem:s13+$0x0]  }
.LBB2_6:
0x3a: {  	p0 =	sne.s32 s14, $0x3F;
	_ =	sdelay $0x3  }
0x3b: {  	(xrf2) =	vadd.scan.msk.f32 $0xffff, v1;
	_ =	sdelay $0x9  }
0x3c: {  	v2, _, _ =	vpop (xrf2)  }
0x3d: {  	(v2sf) =	vpush v2, $0xF;
	_ =	sdelay $0xe  }
0x3e: {  	s15 =	spop (v2sf)  }
0x3f: {  	s11 =	sadd.s32 $0x80, s11;
	s15 =	sadd.f32 $9.999999740e-06, s15  }
0x40: {  	v2 =	vld [tilespmem:s11+$0x0]  }
0x41: {  	v3 =	vmov s15  }
0x42: {  	(erf) = vrcp.f32 v3;
	_ =	sdelay $0x1  }
0x43: {  	v3 =	vmov s12;
	s12 =	smov.u32 s14  }
0x44: {  	v4 =	vshll.u32 v3, $0x9;
	v5 =	vshll.u32 v2, $0x3  }
0x45: {  	v3 =	vshll.u32 v3, $0x7;
	v4 =	vand.u32 $0x7000, v4;
	v5 =	vand.u32 $0xFFFFFC00, v5  }
0x46: {  	v3 =	vand.u32 $0x380, v3;
	v4 =	vadd.s32 v4, v5  }
0x47: {  	v2 =	vand.u32 $0x7F, v2;
	v3 =	vor.u32 v3, v4  }
0x48: {  	v2 =	vor.u32 v2, v3;
	_ =	sdelay $0x1  }
.Ltmp2:
0x49: {  	v3 =	vpop (erf);
	(pc) =	sbr.rel @p0 .LBB2_6-.Ltmp2, $3  }
0x4a: {  	v1 =	vmul.f32 v3, v1;
	_ =	sdelay $0x1  }
0x4b: {  	s13 =	sadd.s32 $0x80, s13;
	[tilespmem:v2+s9+$0x0] =	vst.idx.msk $0xffff, v1  }
0x4c: {  	s14 =	sadd.s32 $0x1, s14;
	v1 =	vld [tilespmem:s13+$0x0]  }
0x4d: {  	_ =	sdelay $0x3  }
0x4e: {  	(xrf2) =	vadd.scan.msk.f32 $0xffff, v1;
	_ =	sdelay $0x9  }
0x4f: {  	v2, _, _ =	vpop (xrf2)  }
0x50: {  	(v2sf) =	vpush v2, $0xF;
	_ =	sdelay $0xe  }
0x51: {  	s13 =	spop (v2sf)  }
0x52: {  	s11 =	sadd.s32 $0x80, s11;
	s13 =	sadd.f32 $9.999999740e-06, s13  }
0x53: {  	v2 =	vld [tilespmem:s11+$0x0]  }
0x54: {  	v3 =	vmov s13  }
0x55: {  	(erf) = vrcp.f32 v3;
	_ =	sdelay $0x1  }
0x56: {  	v3 =	vmov s12  }
0x57: {  	v5 =	vshll.u32 v2, $0x3;
	v4 =	vshll.u32 v3, $0x9  }
0x58: {  	v5 =	vand.u32 $0xFFFFFC00, v5;
	v3 =	vshll.u32 v3, $0x7;
	v4 =	vand.u32 $0x7000, v4  }
0x59: {  	v3 =	vand.u32 $0x380, v3;
	v4 =	vadd.s32 v4, v5  }
0x5a: {  	v2 =	vand.u32 $0x7F, v2;
	v3 =	vor.u32 v3, v4  }
0x5b: {  	v2 =	vor.u32 v2, v3;
	_ =	sdelay $0x1  }
0x5c: {  	v3 =	vpop (erf)  }
0x5d: {  	s10 =	sadd.s32 $0x1, s10;
	v1 =	vmul.f32 v3, v1  }
0x5e: {  	p0 =	sne.s32 s10, s6  }
.Ltmp3:
0x5f: {  	[tilespmem:v2+s9+$0x0] =	vst.idx.msk $0xffff, v1;
	(pc) =	sbr.rel @p0 .LBB2_1-.Ltmp3, $4  }
0x60: {  	[hbm4b:s5+s2] =	stream.linear.scatter [tilespmem:s9], [sflag:$0x1], $0x8000, $0x38;
	[tilespmem:$0xC000] =	vst v63  }
0x61: {  	_ =	swait.ge [sflag:s7], $0x8000  }
0x62: {  	[sflag:s7] =	ssyncset.done $0x0  }
0x63: {  	[sflag:s7] =	ssyncadd.s32 $0xFFFF8000  }
0x64: {  	_ =	sfence.sel $0x180000  }
0x65: {  	[bflag:$0x0] =	sbarrier.arrive $0xFFFF  }
0x66: {  	p0 =	sne.s32 s1, $0x0;
	_ =	strace $0x90000047  }
0x67: {  	s0 =	sadd.s32 @!p0 $0x100000, s0;
	[bflag:$0x2] =	sbarrier.arrive $0xFFFF  }
0x68: {  	[sflag:s0] =	ssyncadd.tile.s32 @!p0 $0x1;
	_ =	shalt  }
.Lfunc_end2:
_tile_overlayer_lowered:
.L_overlay_start_2:
0x69: {  	(tag) =	ssettag $0x2  }
0x6a: {  	s0 =	rddreg [dreg:$0x0];
	s2 =	stileid.u32  }
0x6b: {  	s1 =	rddreg [dreg:$0x1];
	p0 =	sne.s32 s2, $0x0  }
0x6c: {  	s3 =	rddreg [dreg:$0x2];
	[bflag:$0x3] =	sbarrier.arrive $0xFFFF;
	s2 =	simm.s32 @!p0 $0x1C01  }
0x6d: {  	[timem:s3], [sflag:s2] =	dma.local @!p0 [hbm:s0], s1  }
0x6e: {  	s0 =	simm.s32 @!p0 $0x1  }
0x6f: {  	_ =	swait.ge @!p0 [sflag:s0], s1  }
0x70: {  	s1 =	ssub.s32 @!p0 $0x0, s1;
	[sflag:s0] =	ssyncset.done @!p0 $0x0  }
0x71: {  	[sflag:s0] =	ssyncadd.s32 @!p0 s1  }
0x72: {  	[bflag:$0x3] =	sbarrier.arrive $0xFFFF  }
0x73: {  	_ =	shalt  }

</sc_bundles>
